<compile_context>
chip_gen: v7x
topology: tpu7x:2x2x1
jax: 0.10.2.dev20260603
libtpu: 0.0.44.dev20260713+nightly
codegen_flags: <defaults>
</compile_context>

<pallas_src>
import functools

import jax
import jax.numpy as jnp
from jax import lax
from jax.experimental import pallas as pl
from jax.experimental.pallas import tpu as pltpu
from jax.experimental.pallas import tpu_sc as plsc

N_DATA = 1000000
EMBED_DIM = 32
HIDDENS = 64
OUTPUT_DIM = 16
BATCH = 16384

_NC = 2
_NS = 16
_NW = _NC * _NS
_B_PER_W = BATCH // _NW

_TW = 16384
_TGRID = 61
_MAIN = _TW * _TGRID
_TAIL = N_DATA - _MAIN
_TLINES = _TW * EMBED_DIM // 128
_QW = _TW // 4
_TAILQ = _TAIL // 4
_LINES = N_DATA * EMBED_DIM // 128


def _pack_body(in_hbm, tail_ref, out_ref, buf, sem):
  i = pl.program_id(0)

  def start(step, slot):
    pltpu.make_async_copy(
        in_hbm.at[:, pl.ds(step * _TW, _TW)], buf.at[slot], sem.at[slot]
    ).start()

  @pl.when(i == 0)
  def _():
    start(0, 0)

  @pl.when(i + 1 < _TGRID)
  def _():
    start(i + 1, (i + 1) % 2)

  slot = i % 2

  @pl.when(i < _TGRID)
  def _():
    pltpu.make_async_copy(
        in_hbm.at[:, pl.ds(0, _TW)], buf.at[slot], sem.at[slot]
    ).wait()
    rows = lax.broadcasted_iota(jnp.int32, (EMBED_DIM, 128), 0)
    cols = lax.broadcasted_iota(jnp.int32, (EMBED_DIM, 128), 1)
    x = buf[slot]
    acc = None
    for q in range(4):
      sel = (rows + EMBED_DIM * q == cols).astype(jnp.float32)
      y = lax.dot_general(
          x[:, _QW * q:_QW * (q + 1)], sel,
          (((0,), (0,)), ((), ())),
          preferred_element_type=jnp.float32,
      )
      acc = y if acc is None else acc + y
    out_ref[...] = acc

  @pl.when(i == _TGRID)
  def _():
    for q in range(4):
      out_ref[0:_TAILQ, EMBED_DIM * q:EMBED_DIM * (q + 1)] = (
          tail_ref[_TAILQ * q:_TAILQ * (q + 1), :]
      )


def _pack_table(tableT, tail):
  return pl.pallas_call(
      _pack_body,
      grid=(_TGRID + 1,),
      in_specs=[
          pl.BlockSpec(memory_space=pltpu.MemorySpace.HBM),
          pl.BlockSpec((_TAIL, EMBED_DIM), lambda i: (0, 0)),
      ],
      out_specs=pl.BlockSpec((_TLINES, 128), lambda i: (i, 0)),
      out_shape=jax.ShapeDtypeStruct((_LINES, 128), jnp.float32),
      scratch_shapes=[
          pltpu.VMEM((2, EMBED_DIM, _TW), jnp.float32),
          pltpu.SemaphoreType.DMA((2,)),
      ],
  )(tableT, tail)


@functools.lru_cache(maxsize=None)
def _make_sc_gather():
  mesh = plsc.VectorSubcoreMesh(core_axis_name="c", subcore_axis_name="s")

  @functools.partial(
      pl.kernel,
      mesh=mesh,
      out_type=jax.ShapeDtypeStruct((BATCH, EMBED_DIM), jnp.float32),
      scratch_types=[
          pltpu.VMEM((_B_PER_W,), jnp.int32),
          pltpu.VMEM((_B_PER_W, EMBED_DIM), jnp.float32),
          pltpu.SemaphoreType.DMA,
      ],
      compiler_params=pltpu.CompilerParams(use_tc_tiling_on_sc=False),
  )
  def gather_kernel(table_hbm, idx_hbm, out_hbm, idx_v, rows_v, sem):
    wid = lax.axis_index("s") * _NC + lax.axis_index("c")
    base = wid * _B_PER_W
    pltpu.sync_copy(idx_hbm.at[pl.ds(base, _B_PER_W)], idx_v)
    pltpu.async_copy(table_hbm.at[idx_v], rows_v, sem).wait()
    pltpu.sync_copy(rows_v, out_hbm.at[pl.ds(base, _B_PER_W)])

  return gather_kernel


_BM = 2048


def _mlp_body(emb_ref, w1_ref, b1_ref, w2_ref, b2_ref, out_ref):
  h = jnp.tanh(
      jnp.dot(emb_ref[...], w1_ref[...], preferred_element_type=jnp.float32)
      + b1_ref[...]
  )
  z = (
      jnp.dot(h, w2_ref[...], preferred_element_type=jnp.float32)
      + b2_ref[...]
  )
  out_ref[...] = jax.nn.sigmoid(z)


def _mlp(emb, w1, b1, w2, b2):
  grid = (BATCH // _BM,)
  return pl.pallas_call(
      _mlp_body,
      grid=grid,
      in_specs=[
          pl.BlockSpec((_BM, EMBED_DIM), lambda i: (i, 0)),
          pl.BlockSpec((EMBED_DIM, HIDDENS), lambda i: (0, 0)),
          pl.BlockSpec((1, HIDDENS), lambda i: (0, 0)),
          pl.BlockSpec((HIDDENS, OUTPUT_DIM), lambda i: (0, 0)),
          pl.BlockSpec((1, OUTPUT_DIM), lambda i: (0, 0)),
      ],
      out_specs=pl.BlockSpec((_BM, OUTPUT_DIM), lambda i: (i, 0)),
      out_shape=jax.ShapeDtypeStruct((BATCH, OUTPUT_DIM), jnp.float32),
  )(emb, w1, b1, w2, b2)


@jax.jit
def kernel(idx, table, W1, b1, W2, b2):
  idx = idx.astype(jnp.int32)
  tail = lax.slice(table, (_MAIN, 0), (N_DATA, EMBED_DIM))
  packed = _pack_table(table.T, tail).reshape(N_DATA, EMBED_DIM)
  c = idx % _TW
  perm_main = (idx // _TW) * _TW + (c % _QW) * 4 + c // _QW
  t = idx - _MAIN
  perm_tail = _MAIN + (t % _TAILQ) * 4 + t // _TAILQ
  perm_idx = jnp.where(idx >= _MAIN, perm_tail, perm_main)
  emb = _make_sc_gather()(packed, perm_idx)
  return _mlp(emb, W1, b1.reshape(1, HIDDENS), W2, b2.reshape(1, OUTPUT_DIM))

# --- scband reference (transcript-rebuilt; emitter-appended) ---
"""Pipeline reference for scband-model-84052509983503 (READ-ONLY COPY).

The authoritative reference and input builder live on the scoring server;
editing this copy changes nothing except your own understanding.
"""

import jax, jax.numpy as jnp
import numpy as np

N_DATA = 1000000
EMBED_DIM = 32
HIDDENS = 64
OUTPUT_DIM = 16
BATCH = 16384


def setup_inputs(seed: int = 0) -> dict:
    key = jax.random.key(seed)
    k_idx, k_tab, k_w1, k_b1, k_w2, k_b2 = jax.random.split(key, 6)
    idx = jax.random.randint(k_idx, (BATCH,), 0, N_DATA, dtype=jnp.int64 if jax.config.jax_enable_x64 else jnp.int32)
    # nn.Embedding default init: N(0, 1)
    table = jax.random.normal(k_tab, (N_DATA, EMBED_DIM), dtype=jnp.float32)
    # nn.Linear default init: U(-1/sqrt(fan_in), 1/sqrt(fan_in))
    lim1 = 1.0 / np.sqrt(EMBED_DIM)
    W1 = jax.random.uniform(k_w1, (EMBED_DIM, HIDDENS), minval=-lim1, maxval=lim1, dtype=jnp.float32)
    b1 = jax.random.uniform(k_b1, (HIDDENS,), minval=-lim1, maxval=lim1, dtype=jnp.float32)
    lim2 = 1.0 / np.sqrt(HIDDENS)
    W2 = jax.random.uniform(k_w2, (HIDDENS, OUTPUT_DIM), minval=-lim2, maxval=lim2, dtype=jnp.float32)
    b2 = jax.random.uniform(k_b2, (OUTPUT_DIM,), minval=-lim2, maxval=lim2, dtype=jnp.float32)
    return {"idx": idx, "table": table, "W1": W1, "b1": b1, "W2": W2, "b2": b2}


def reference(idx, table, W1, b1, W2, b2):
    # embedding lookup
    emb = jnp.take(table, idx, axis=0)  # [B, EMBED_DIM]
    # decoder: Linear -> Tanh -> Linear -> Sigmoid
    h = jnp.tanh(emb @ W1 + b1)
    out = jax.nn.sigmoid(h @ W2 + b2)
    return out

if __name__ == "__main__":
    import jax
    _d = setup_inputs()
    print(jax.jit(kernel)(*tuple(_d.values())))

</pallas_src>

<mosaic_0001>
#map = affine_map<(d0, d1) -> (0, 0)>
#map1 = affine_map<(d0, d1) -> (0)>
module attributes {stable_mosaic.version = 14 : i64} {
  func.func @gather_kernel(%arg0: i32, %arg1: i32, %arg2: memref<1000000x32xf32, #tpu.memory_space<hbm>>, %arg3: memref<16384xi32, #tpu.memory_space<hbm>>, %arg4: memref<16384x32xf32, #tpu.memory_space<hbm>>, %arg5: memref<512xi32, #tpu.memory_space<vmem>>, %arg6: memref<512x32xf32, #tpu.memory_space<vmem>>, %arg7: memref<!tpu.dma_semaphore, #tpu.memory_space<semaphore_mem>>) attributes {dimension_semantics = [#tpu.dimension_semantics<core_parallel>, #tpu.dimension_semantics<subcore_parallel>], iteration_bounds = array<i64: 2, 16>, scalar_prefetch = 0 : i64, scratch_operands = 3 : i64, tpu.core_type = #tpu.core_type<sc_vector_subcore>, window_params = [{transform_indices = #map}, {transform_indices = #map1}, {transform_indices = #map}]} {
    %mul3A = arith.constant 2 : i32
    %mul3A_0 = arith.muli %arg1, %mul3A : i32
    %add3A = arith.addi %mul3A_0, %arg0 : i32
    %mul3A_1 = arith.constant 512 : i32
    %mul3A_2 = arith.muli %add3A, %mul3A_1 : i32
    "tpu.region"() ({
      %run_scoped3A = tpu.sem_alloc : memref<!tpu.dma_semaphore, #tpu.memory_space<semaphore_mem>>
      %dma_start3A_7 = tpu.memref_slice %arg3[%mul3A_2] : memref<16384xi32, #tpu.memory_space<hbm>> -> memref<512xi32, #tpu.memory_space<hbm>>
      %dma_start3A_8 = tpu.memref_slice %arg3[%mul3A_2] : memref<16384xi32, #tpu.memory_space<hbm>> -> memref<512xi32, #tpu.memory_space<hbm>>
      tpu.enqueue_dma source(%dma_start3A_8 : memref<512xi32, #tpu.memory_space<hbm>>) target(%arg5 : memref<512xi32, #tpu.memory_space<vmem>>) target_semaphore(%run_scoped3A : memref<!tpu.dma_semaphore, #tpu.memory_space<semaphore_mem>>)
      %dma_wait3A_9 = tpu.memref_slice %arg3[%mul3A_2] : memref<16384xi32, #tpu.memory_space<hbm>> -> memref<512xi32, #tpu.memory_space<hbm>>
      %dma_wait3A_10 = tpu.memref_slice %arg3[%mul3A_2] : memref<16384xi32, #tpu.memory_space<hbm>> -> memref<512xi32, #tpu.memory_space<hbm>>
      tpu.wait_dma2 semaphore(%run_scoped3A : memref<!tpu.dma_semaphore, #tpu.memory_space<semaphore_mem>>) src(%dma_wait3A_10 : memref<512xi32, #tpu.memory_space<hbm>>) dst(%arg5 : memref<512xi32, #tpu.memory_space<vmem>>)
      tpu.yield
    }) : () -> ()
    %dma_start3A = arith.constant 0 : i32
    %dma_start3A_3 = arith.constant 0 : i32
    %dma_start3A_4 = tpu.memref_slice %arg2[%dma_start3A, %dma_start3A_3] : memref<1000000x32xf32, #tpu.memory_space<hbm>> -> memref<1000000x32xf32, #tpu.memory_space<hbm>>
    tpu.enqueue_indirect_dma source(%dma_start3A_4 : memref<1000000x32xf32, #tpu.memory_space<hbm>>) target(%arg6 : memref<512x32xf32, #tpu.memory_space<vmem>>) offsets(%arg5 : memref<512xi32, #tpu.memory_space<vmem>>) semaphore(%arg7 : memref<!tpu.dma_semaphore, #tpu.memory_space<semaphore_mem>>)
    %dma_wait3A = arith.constant 0 : i32
    %dma_wait3A_5 = arith.constant 0 : i32
    %dma_wait3A_6 = tpu.memref_slice %arg2[%dma_wait3A, %dma_wait3A_5] : memref<1000000x32xf32, #tpu.memory_space<hbm>> -> memref<1000000x32xf32, #tpu.memory_space<hbm>>
    tpu.wait_indirect_dma semaphore(%arg7 : memref<!tpu.dma_semaphore, #tpu.memory_space<semaphore_mem>>) src(%dma_wait3A_6 : memref<1000000x32xf32, #tpu.memory_space<hbm>>) dst(%arg6 : memref<512x32xf32, #tpu.memory_space<vmem>>)
    "tpu.region"() ({
      %run_scoped3A = tpu.sem_alloc : memref<!tpu.dma_semaphore, #tpu.memory_space<semaphore_mem>>
      %dma_start3A_7 = arith.constant 0 : i32
      %dma_start3A_8 = tpu.memref_slice %arg4[%mul3A_2, %dma_start3A_7] : memref<16384x32xf32, #tpu.memory_space<hbm>> -> memref<512x32xf32, #tpu.memory_space<hbm>>
      %dma_start3A_9 = arith.constant 0 : i32
      %dma_start3A_10 = tpu.memref_slice %arg4[%mul3A_2, %dma_start3A_9] : memref<16384x32xf32, #tpu.memory_space<hbm>> -> memref<512x32xf32, #tpu.memory_space<hbm>>
      tpu.enqueue_dma source(%arg6 : memref<512x32xf32, #tpu.memory_space<vmem>>) target(%dma_start3A_10 : memref<512x32xf32, #tpu.memory_space<hbm>>) target_semaphore(%run_scoped3A : memref<!tpu.dma_semaphore, #tpu.memory_space<semaphore_mem>>)
      %dma_wait3A_11 = arith.constant 0 : i32
      %dma_wait3A_12 = tpu.memref_slice %arg4[%mul3A_2, %dma_wait3A_11] : memref<16384x32xf32, #tpu.memory_space<hbm>> -> memref<512x32xf32, #tpu.memory_space<hbm>>
      %dma_wait3A_13 = arith.constant 0 : i32
      %dma_wait3A_14 = tpu.memref_slice %arg4[%mul3A_2, %dma_wait3A_13] : memref<16384x32xf32, #tpu.memory_space<hbm>> -> memref<512x32xf32, #tpu.memory_space<hbm>>
      tpu.wait_dma2 semaphore(%run_scoped3A : memref<!tpu.dma_semaphore, #tpu.memory_space<semaphore_mem>>) src(%arg6 : memref<512x32xf32, #tpu.memory_space<vmem>>) dst(%dma_wait3A_14 : memref<512x32xf32, #tpu.memory_space<hbm>>)
      tpu.yield
    }) : () -> ()
    return
  }
}

module attributes {stable_mosaic.version = 14 : i64} {
  func.func @_pack_body(%arg0: i32, %arg1: memref<32x1000000xf32, #tpu.memory_space<hbm>>, %arg2: memref<576x32xf32, #tpu.memory_space<vmem>>, %arg3: memref<4096x128xf32, #tpu.memory_space<vmem>>, %arg4: memref<2x32x16384xf32, #tpu.memory_space<vmem>>, %arg5: memref<2x!tpu.dma_semaphore, #tpu.memory_space<semaphore_mem>>) attributes {dimension_semantics = [#tpu.dimension_semantics<arbitrary>], iteration_bounds = array<i64: 62>, scalar_prefetch = 0 : i64, scratch_operands = 2 : i64, tpu.core_type = #tpu.core_type<tc>, window_params = [{}, {pipeline_mode = #tpu.pipeline_mode<synchronous>, transform_indices = @transform_1, window_bounds = array<i64: 576, 32>}, {transform_indices = @transform_2, window_bounds = array<i64: 4096, 128>}]} {
    %eq3A = arith.constant 0 : i32
    %eq3A_0 = arith.cmpi eq, %arg0, %eq3A : i32
    %convert_element_type3A = arith.extui %eq3A_0 : i1 to i32
    %cond3A = arith.constant 0 : i32
    %cond3A_1 = arith.cmpi ne, %convert_element_type3A, %cond3A : i32
    scf.if %cond3A_1 {
      %dma_start3A = arith.constant 0 : i32
      %dma_start3A_28 = arith.constant 0 : i32
      %dma_start3A_29 = tpu.memref_slice %arg5[%dma_start3A_28] : memref<2x!tpu.dma_semaphore, #tpu.memory_space<semaphore_mem>> -> memref<1x!tpu.dma_semaphore, #tpu.memory_space<semaphore_mem>>
      %dma_start3A_30 = tpu.memref_squeeze %dma_start3A_29 : memref<1x!tpu.dma_semaphore, #tpu.memory_space<semaphore_mem>> -> memref<!tpu.dma_semaphore, #tpu.memory_space<semaphore_mem>>
      %dma_start3A_31 = arith.constant 0 : i32
      %dma_start3A_32 = arith.constant 0 : i32
      %dma_start3A_33 = tpu.memref_slice %arg4[%dma_start3A, %dma_start3A_31, %dma_start3A_32] : memref<2x32x16384xf32, #tpu.memory_space<vmem>> -> memref<1x32x16384xf32, #tpu.memory_space<vmem>>
      %dma_start3A_34 = tpu.memref_squeeze %dma_start3A_33 : memref<1x32x16384xf32, #tpu.memory_space<vmem>> -> memref<32x16384xf32, #tpu.memory_space<vmem>>
      %dma_start3A_35 = arith.constant 0 : i32
      %dma_start3A_36 = arith.constant 0 : i32
      %dma_start3A_37 = tpu.memref_slice %arg1[%dma_start3A_35, %dma_start3A_36] : memref<32x1000000xf32, #tpu.memory_space<hbm>> -> memref<32x16384xf32, #tpu.memory_space<hbm>>
      tpu.enqueue_dma source(%dma_start3A_37 : memref<32x16384xf32, #tpu.memory_space<hbm>>) target(%dma_start3A_34 : memref<32x16384xf32, #tpu.memory_space<vmem>>) target_semaphore(%dma_start3A_30 : memref<!tpu.dma_semaphore, #tpu.memory_space<semaphore_mem>>)
    } else {
    }
    %add3A = arith.constant 1 : i32
    %add3A_2 = arith.addi %arg0, %add3A : i32
    %lt3A = arith.constant 61 : i32
    %lt3A_3 = arith.cmpi slt, %add3A_2, %lt3A : i32
    %convert_element_type3A_4 = arith.extui %lt3A_3 : i1 to i32
    %cond3A_5 = arith.constant 0 : i32
    %cond3A_6 = arith.cmpi ne, %convert_element_type3A_4, %cond3A_5 : i32
    scf.if %cond3A_6 {
      %add3A_28 = arith.constant 1 : i32
      %add3A_29 = arith.addi %arg0, %add3A_28 : i32
      %add3A_30 = arith.constant 1 : i32
      %add3A_31 = arith.addi %arg0, %add3A_30 : i32
      %jit3A_32 = arith.constant 2 : i32
      %eq3A_33 = arith.constant 0 : i32
      %eq3A_34 = arith.cmpi eq, %jit3A_32, %eq3A_33 : i32
      %jit3A_35 = arith.constant 1 : i32
      %select_n3A_36 = arith.select %eq3A_34, %jit3A_35, %jit3A_32 : i32
      %rem3A_37 = arith.remsi %add3A_31, %select_n3A_36 : i32
      %ne3A_38 = arith.constant 0 : i32
      %ne3A_39 = arith.cmpi ne, %rem3A_37, %ne3A_38 : i32
      %lt3A_40 = arith.constant 0 : i32
      %lt3A_41 = arith.cmpi slt, %rem3A_37, %lt3A_40 : i32
      %lt3A_42 = arith.constant 0 : i32
      %lt3A_43 = arith.cmpi slt, %select_n3A_36, %lt3A_42 : i32
      %ne3A_44 = arith.xori %lt3A_41, %lt3A_43 : i1
      %and3A_45 = arith.andi %ne3A_44, %ne3A_39 : i1
      %add3A_46 = arith.addi %rem3A_37, %select_n3A_36 : i32
      %select_n3A_47 = arith.select %and3A_45, %add3A_46, %rem3A_37 : i32
      %mul3A = arith.constant 16384 : i32
      %mul3A_48 = arith.muli %add3A_29, %mul3A : i32
      %dma_start3A = tpu.memref_slice %arg5[%select_n3A_47] : memref<2x!tpu.dma_semaphore, #tpu.memory_space<semaphore_mem>> -> memref<1x!tpu.dma_semaphore, #tpu.memory_space<semaphore_mem>>
      %dma_start3A_49 = tpu.memref_squeeze %dma_start3A : memref<1x!tpu.dma_semaphore, #tpu.memory_space<semaphore_mem>> -> memref<!tpu.dma_semaphore, #tpu.memory_space<semaphore_mem>>
      %dma_start3A_50 = arith.constant 0 : i32
      %dma_start3A_51 = arith.constant 0 : i32
      %dma_start3A_52 = tpu.memref_slice %arg4[%select_n3A_47, %dma_start3A_50, %dma_start3A_51] : memref<2x32x16384xf32, #tpu.memory_space<vmem>> -> memref<1x32x16384xf32, #tpu.memory_space<vmem>>
      %dma_start3A_53 = tpu.memref_squeeze %dma_start3A_52 : memref<1x32x16384xf32, #tpu.memory_space<vmem>> -> memref<32x16384xf32, #tpu.memory_space<vmem>>
      %dma_start3A_54 = arith.constant 0 : i32
      %dma_start3A_55 = tpu.memref_slice %arg1[%dma_start3A_54, %mul3A_48] : memref<32x1000000xf32, #tpu.memory_space<hbm>> -> memref<32x16384xf32, #tpu.memory_space<hbm>>
      tpu.enqueue_dma source(%dma_start3A_55 : memref<32x16384xf32, #tpu.memory_space<hbm>>) target(%dma_start3A_53 : memref<32x16384xf32, #tpu.memory_space<vmem>>) target_semaphore(%dma_start3A_49 : memref<!tpu.dma_semaphore, #tpu.memory_space<semaphore_mem>>)
    } else {
    }
    %jit3A = arith.constant 2 : i32
    %eq3A_7 = arith.constant 0 : i32
    %eq3A_8 = arith.cmpi eq, %jit3A, %eq3A_7 : i32
    %jit3A_9 = arith.constant 1 : i32
    %select_n3A = arith.select %eq3A_8, %jit3A_9, %jit3A : i32
    %rem3A = arith.remsi %arg0, %select_n3A : i32
    %ne3A = arith.constant 0 : i32
    %ne3A_10 = arith.cmpi ne, %rem3A, %ne3A : i32
    %lt3A_11 = arith.constant 0 : i32
    %lt3A_12 = arith.cmpi slt, %rem3A, %lt3A_11 : i32
    %lt3A_13 = arith.constant 0 : i32
    %lt3A_14 = arith.cmpi slt, %select_n3A, %lt3A_13 : i32
    %ne3A_15 = arith.xori %lt3A_12, %lt3A_14 : i1
    %and3A = arith.andi %ne3A_15, %ne3A_10 : i1
    %add3A_16 = arith.addi %rem3A, %select_n3A : i32
    %select_n3A_17 = arith.select %and3A, %add3A_16, %rem3A : i32
    %lt3A_18 = arith.constant 61 : i32
    %lt3A_19 = arith.cmpi slt, %arg0, %lt3A_18 : i32
    %convert_element_type3A_20 = arith.extui %lt3A_19 : i1 to i32
    %cond3A_21 = arith.constant 0 : i32
    %cond3A_22 = arith.cmpi ne, %convert_element_type3A_20, %cond3A_21 : i32
    scf.if %cond3A_22 {
      %dma_wait3A = tpu.memref_slice %arg5[%select_n3A_17] : memref<2x!tpu.dma_semaphore, #tpu.memory_space<semaphore_mem>> -> memref<1x!tpu.dma_semaphore, #tpu.memory_space<semaphore_mem>>
      %dma_wait3A_28 = tpu.memref_squeeze %dma_wait3A : memref<1x!tpu.dma_semaphore, #tpu.memory_space<semaphore_mem>> -> memref<!tpu.dma_semaphore, #tpu.memory_space<semaphore_mem>>
      %dma_wait3A_29 = arith.constant 0 : i32
      %dma_wait3A_30 = arith.constant 0 : i32
      %dma_wait3A_31 = tpu.memref_slice %arg4[%select_n3A_17, %dma_wait3A_29, %dma_wait3A_30] : memref<2x32x16384xf32, #tpu.memory_space<vmem>> -> memref<1x32x16384xf32, #tpu.memory_space<vmem>>
      %dma_wait3A_32 = tpu.memref_squeeze %dma_wait3A_31 : memref<1x32x16384xf32, #tpu.memory_space<vmem>> -> memref<32x16384xf32, #tpu.memory_space<vmem>>
      %dma_wait3A_33 = arith.constant 0 : i32
      %dma_wait3A_34 = arith.constant 0 : i32
      %dma_wait3A_35 = tpu.memref_slice %arg1[%dma_wait3A_33, %dma_wait3A_34] : memref<32x1000000xf32, #tpu.memory_space<hbm>> -> memref<32x16384xf32, #tpu.memory_space<hbm>>
      tpu.wait_dma2 semaphore(%dma_wait3A_28 : memref<!tpu.dma_semaphore, #tpu.memory_space<semaphore_mem>>) src(%dma_wait3A_35 : memref<32x16384xf32, #tpu.memory_space<hbm>>) dst(%dma_wait3A_32 : memref<32x16384xf32, #tpu.memory_space<vmem>>)
      %iota3A = tpu.iota {dimensions = array<i32: 0>} : vector<32x128xi32>
      %iota3A_36 = tpu.iota {dimensions = array<i32: 1>} : vector<32x128xi32>
      %get3A = arith.index_cast %select_n3A_17 : i32 to index
      %get3A_37 = arith.constant 0 : index
      %get3A_38 = arith.constant 0 : index
      %get3A_39 = vector.load %arg4[%get3A, %get3A_37, %get3A_38] : memref<2x32x16384xf32, #tpu.memory_space<vmem>>, vector<1x32x16384xf32>
      %get3A_40 = vector.shape_cast %get3A_39 : vector<1x32x16384xf32> to vector<32x16384xf32>
      %add3A_41 = arith.constant 0 : i32
      %add3A_42 = vector.broadcast %add3A_41 : i32 to vector<32x128xi32>
      %add3A_43 = arith.addi %iota3A, %add3A_42 : vector<32x128xi32>
      %eq3A_44 = arith.cmpi eq, %add3A_43, %iota3A_36 : vector<32x128xi32>
      %convert_element_type3A_45 = arith.extui %eq3A_44 : vector<32x128xi1> to vector<32x128xi32>
      %convert_element_type3A_46 = arith.sitofp %convert_element_type3A_45 : vector<32x128xi32> to vector<32x128xf32>
      %slice3A = vector.extract_strided_slice %get3A_40 {offsets = [0, 0], sizes = [32, 4096], strides = [1, 1]} : vector<32x16384xf32> to vector<32x4096xf32>
      %dot_general3A = arith.constant dense<0.000000e+00> : vector<4096x128xf32>
      %dot_general3A_47 = tpu.matmul %slice3A, %convert_element_type3A_46, %dot_general3A {dimension_numbers = #tpu.dot_dimension_numbers<[0], [0], [1], [1], [0, 1, 1, 1], [], []>, transpose_lhs_hint = false} : vector<32x4096xf32>, vector<32x128xf32>, vector<4096x128xf32> -> vector<4096x128xf32>
      %add3A_48 = arith.constant 32 : i32
      %add3A_49 = vector.broadcast %add3A_48 : i32 to vector<32x128xi32>
      %add3A_50 = arith.addi %iota3A, %add3A_49 : vector<32x128xi32>
      %eq3A_51 = arith.cmpi eq, %add3A_50, %iota3A_36 : vector<32x128xi32>
      %convert_element_type3A_52 = arith.extui %eq3A_51 : vector<32x128xi1> to vector<32x128xi32>
      %convert_element_type3A_53 = arith.sitofp %convert_element_type3A_52 : vector<32x128xi32> to vector<32x128xf32>
      %slice3A_54 = vector.extract_strided_slice %get3A_40 {offsets = [0, 4096], sizes = [32, 4096], strides = [1, 1]} : vector<32x16384xf32> to vector<32x4096xf32>
      %dot_general3A_55 = arith.constant dense<0.000000e+00> : vector<4096x128xf32>
      %dot_general3A_56 = tpu.matmul %slice3A_54, %convert_element_type3A_53, %dot_general3A_55 {dimension_numbers = #tpu.dot_dimension_numbers<[0], [0], [1], [1], [0, 1, 1, 1], [], []>, transpose_lhs_hint = false} : vector<32x4096xf32>, vector<32x128xf32>, vector<4096x128xf32> -> vector<4096x128xf32>
      %add3A_57 = arith.addf %dot_general3A_47, %dot_general3A_56 : vector<4096x128xf32>
      %add3A_58 = arith.constant 64 : i32
      %add3A_59 = vector.broadcast %add3A_58 : i32 to vector<32x128xi32>
      %add3A_60 = arith.addi %iota3A, %add3A_59 : vector<32x128xi32>
      %eq3A_61 = arith.cmpi eq, %add3A_60, %iota3A_36 : vector<32x128xi32>
      %convert_element_type3A_62 = arith.extui %eq3A_61 : vector<32x128xi1> to vector<32x128xi32>
      %convert_element_type3A_63 = arith.sitofp %convert_element_type3A_62 : vector<32x128xi32> to vector<32x128xf32>
      %slice3A_64 = vector.extract_strided_slice %get3A_40 {offsets = [0, 8192], sizes = [32, 4096], strides = [1, 1]} : vector<32x16384xf32> to vector<32x4096xf32>
      %dot_general3A_65 = arith.constant dense<0.000000e+00> : vector<4096x128xf32>
      %dot_general3A_66 = tpu.matmul %slice3A_64, %convert_element_type3A_63, %dot_general3A_65 {dimension_numbers = #tpu.dot_dimension_numbers<[0], [0], [1], [1], [0, 1, 1, 1], [], []>, transpose_lhs_hint = false} : vector<32x4096xf32>, vector<32x128xf32>, vector<4096x128xf32> -> vector<4096x128xf32>
      %add3A_67 = arith.addf %add3A_57, %dot_general3A_66 : vector<4096x128xf32>
      %add3A_68 = arith.constant 96 : i32
      %add3A_69 = vector.broadcast %add3A_68 : i32 to vector<32x128xi32>
      %add3A_70 = arith.addi %iota3A, %add3A_69 : vector<32x128xi32>
      %eq3A_71 = arith.cmpi eq, %add3A_70, %iota3A_36 : vector<32x128xi32>
      %convert_element_type3A_72 = arith.extui %eq3A_71 : vector<32x128xi1> to vector<32x128xi32>
      %convert_element_type3A_73 = arith.sitofp %convert_element_type3A_72 : vector<32x128xi32> to vector<32x128xf32>
      %slice3A_74 = vector.extract_strided_slice %get3A_40 {offsets = [0, 12288], sizes = [32, 4096], strides = [1, 1]} : vector<32x16384xf32> to vector<32x4096xf32>
      %dot_general3A_75 = arith.constant dense<0.000000e+00> : vector<4096x128xf32>
      %dot_general3A_76 = tpu.matmul %slice3A_74, %convert_element_type3A_73, %dot_general3A_75 {dimension_numbers = #tpu.dot_dimension_numbers<[0], [0], [1], [1], [0, 1, 1, 1], [], []>, transpose_lhs_hint = false} : vector<32x4096xf32>, vector<32x128xf32>, vector<4096x128xf32> -> vector<4096x128xf32>
      %add3A_77 = arith.addf %add3A_67, %dot_general3A_76 : vector<4096x128xf32>
      %swap3A = arith.constant 0 : index
      %swap3A_78 = arith.constant 0 : index
      %swap3A_79 = vector.load %arg3[%swap3A, %swap3A_78] : memref<4096x128xf32, #tpu.memory_space<vmem>>, vector<4096x128xf32>
      tpu.vector_store %arg3[%swap3A, %swap3A_78], %add3A_77 {strides = array<i32>} : memref<4096x128xf32, #tpu.memory_space<vmem>>, vector<4096x128xf32>,
    } else {
    }
    %eq3A_23 = arith.constant 61 : i32
    %eq3A_24 = arith.cmpi eq, %arg0, %eq3A_23 : i32
    %convert_element_type3A_25 = arith.extui %eq3A_24 : i1 to i32
    %cond3A_26 = arith.constant 0 : i32
    %cond3A_27 = arith.cmpi ne, %convert_element_type3A_25, %cond3A_26 : i32
    scf.if %cond3A_27 {
      %get3A = arith.constant 0 : index
      %get3A_28 = arith.constant 0 : index
      %get3A_29 = vector.load %arg2[%get3A, %get3A_28] : memref<576x32xf32, #tpu.memory_space<vmem>>, vector<144x32xf32>
      %swap3A = arith.constant 0 : index
      %swap3A_30 = arith.constant 0 : index
      %swap3A_31 = vector.load %arg3[%swap3A, %swap3A_30] : memref<4096x128xf32, #tpu.memory_space<vmem>>, vector<144x32xf32>
      tpu.vector_store %arg3[%swap3A, %swap3A_30], %get3A_29 {strides = array<i32>} : memref<4096x128xf32, #tpu.memory_space<vmem>>, vector<144x32xf32>,
      %get3A_32 = arith.constant 144 : index
      %get3A_33 = arith.constant 0 : index
      %get3A_34 = vector.load %arg2[%get3A_32, %get3A_33] : memref<576x32xf32, #tpu.memory_space<vmem>>, vector<144x32xf32>
      %swap3A_35 = arith.constant 0 : index
      %swap3A_36 = arith.constant 32 : index
      %swap3A_37 = vector.load %arg3[%swap3A_35, %swap3A_36] : memref<4096x128xf32, #tpu.memory_space<vmem>>, vector<144x32xf32>
      tpu.vector_store %arg3[%swap3A_35, %swap3A_36], %get3A_34 {strides = array<i32>} : memref<4096x128xf32, #tpu.memory_space<vmem>>, vector<144x32xf32>,
      %get3A_38 = arith.constant 288 : index
      %get3A_39 = arith.constant 0 : index
      %get3A_40 = vector.load %arg2[%get3A_38, %get3A_39] : memref<576x32xf32, #tpu.memory_space<vmem>>, vector<144x32xf32>
      %swap3A_41 = arith.constant 0 : index
      %swap3A_42 = arith.constant 64 : index
      %swap3A_43 = vector.load %arg3[%swap3A_41, %swap3A_42] : memref<4096x128xf32, #tpu.memory_space<vmem>>, vector<144x32xf32>
      tpu.vector_store %arg3[%swap3A_41, %swap3A_42], %get3A_40 {strides = array<i32>} : memref<4096x128xf32, #tpu.memory_space<vmem>>, vector<144x32xf32>,
      %get3A_44 = arith.constant 432 : index
      %get3A_45 = arith.constant 0 : index
      %get3A_46 = vector.load %arg2[%get3A_44, %get3A_45] : memref<576x32xf32, #tpu.memory_space<vmem>>, vector<144x32xf32>
      %swap3A_47 = arith.constant 0 : index
      %swap3A_48 = arith.constant 96 : index
      %swap3A_49 = vector.load %arg3[%swap3A_47, %swap3A_48] : memref<4096x128xf32, #tpu.memory_space<vmem>>, vector<144x32xf32>
      tpu.vector_store %arg3[%swap3A_47, %swap3A_48], %get3A_46 {strides = array<i32>} : memref<4096x128xf32, #tpu.memory_space<vmem>>, vector<144x32xf32>,
    } else {
    }
    return
  }
  func.func @transform_1(%arg0: i32) -> (i32, i32) {
    %c0_i32 = arith.constant 0 : i32
    %c0_i32_0 = arith.constant 0 : i32
    %c0_i32_1 = arith.constant 0 : i32
    return %c0_i32, %c0_i32_0 : i32, i32
  }
  func.func @transform_2(%arg0: i32) -> (i32, i32) {
    %c0_i32 = arith.constant 0 : i32
    %c0_i32_0 = arith.constant 0 : i32
    return %arg0, %c0_i32 : i32, i32
  }
}

module attributes {stable_mosaic.version = 14 : i64} {
  func.func @_mlp_body(%arg0: i32, %arg1: memref<2048x32xf32, #tpu.memory_space<vmem>>, %arg2: memref<32x64xf32, #tpu.memory_space<vmem>>, %arg3: memref<1x64xf32, #tpu.memory_space<vmem>>, %arg4: memref<64x16xf32, #tpu.memory_space<vmem>>, %arg5: memref<1x16xf32, #tpu.memory_space<vmem>>, %arg6: memref<2048x16xf32, #tpu.memory_space<vmem>>) attributes {dimension_semantics = [#tpu.dimension_semantics<arbitrary>], iteration_bounds = array<i64: 8>, scalar_prefetch = 0 : i64, scratch_operands = 0 : i64, tpu.core_type = #tpu.core_type<tc>, window_params = [{transform_indices = @transform_0, window_bounds = array<i64: 2048, 32>}, {pipeline_mode = #tpu.pipeline_mode<synchronous>, transform_indices = @transform_1, window_bounds = array<i64: 32, 64>}, {pipeline_mode = #tpu.pipeline_mode<synchronous>, transform_indices = @transform_2, window_bounds = array<i64: 1, 64>}, {pipeline_mode = #tpu.pipeline_mode<synchronous>, transform_indices = @transform_3, window_bounds = array<i64: 64, 16>}, {pipeline_mode = #tpu.pipeline_mode<synchronous>, transform_indices = @transform_4, window_bounds = array<i64: 1, 16>}, {transform_indices = @transform_5, window_bounds = array<i64: 2048, 16>}]} {
    %get3A = arith.constant 0 : index
    %get3A_0 = arith.constant 0 : index
    %get3A_1 = vector.load %arg1[%get3A, %get3A_0] : memref<2048x32xf32, #tpu.memory_space<vmem>>, vector<2048x32xf32>
    %get3A_2 = arith.constant 0 : index
    %get3A_3 = arith.constant 0 : index
    %get3A_4 = vector.load %arg2[%get3A_2, %get3A_3] : memref<32x64xf32, #tpu.memory_space<vmem>>, vector<32x64xf32>
    %dot_general3A = arith.constant dense<0.000000e+00> : vector<2048x64xf32>
    %dot_general3A_5 = tpu.matmul %get3A_1, %get3A_4, %dot_general3A {dimension_numbers = #tpu.dot_dimension_numbers<[1], [0], [0], [1], [0, 0, 1, 1], [], []>, transpose_lhs_hint = false} : vector<2048x32xf32>, vector<32x64xf32>, vector<2048x64xf32> -> vector<2048x64xf32>
    %get3A_6 = arith.constant 0 : index
    %get3A_7 = arith.constant 0 : index
    %get3A_8 = vector.load %arg3[%get3A_6, %get3A_7] : memref<1x64xf32, #tpu.memory_space<vmem>>, vector<1x64xf32>
    %add3A = vector.broadcast %get3A_8 : vector<1x64xf32> to vector<2048x64xf32>
    %add3A_9 = arith.addf %dot_general3A_5, %add3A : vector<2048x64xf32>
    %tanh3A = math.tanh %add3A_9 : vector<2048x64xf32>
    %get3A_10 = arith.constant 0 : index
    %get3A_11 = arith.constant 0 : index
    %get3A_12 = vector.load %arg4[%get3A_10, %get3A_11] : memref<64x16xf32, #tpu.memory_space<vmem>>, vector<64x16xf32>
    %dot_general3A_13 = arith.constant dense<0.000000e+00> : vector<2048x16xf32>
    %dot_general3A_14 = tpu.matmul %tanh3A, %get3A_12, %dot_general3A_13 {dimension_numbers = #tpu.dot_dimension_numbers<[1], [0], [0], [1], [0, 0, 1, 1], [], []>, transpose_lhs_hint = false} : vector<2048x64xf32>, vector<64x16xf32>, vector<2048x16xf32> -> vector<2048x16xf32>
    %get3A_15 = arith.constant 0 : index
    %get3A_16 = arith.constant 0 : index
    %get3A_17 = vector.load %arg5[%get3A_15, %get3A_16] : memref<1x16xf32, #tpu.memory_space<vmem>>, vector<1x16xf32>
    %add3A_18 = vector.broadcast %get3A_17 : vector<1x16xf32> to vector<2048x16xf32>
    %add3A_19 = arith.addf %dot_general3A_14, %add3A_18 : vector<2048x16xf32>
    %logistic3A = arith.negf %add3A_19 : vector<2048x16xf32>
    %logistic3A_20 = math.exp %logistic3A : vector<2048x16xf32>
    %logistic3A_21 = arith.constant 1.000000e+00 : f32
    %logistic3A_22 = vector.broadcast %logistic3A_21 : f32 to vector<2048x16xf32>
    %logistic3A_23 = arith.addf %logistic3A_22, %logistic3A_20 : vector<2048x16xf32>
    %logistic3A_24 = arith.divf %logistic3A_22, %logistic3A_23 : vector<2048x16xf32>
    %swap3A = arith.constant 0 : index
    %swap3A_25 = arith.constant 0 : index
    %swap3A_26 = vector.load %arg6[%swap3A, %swap3A_25] : memref<2048x16xf32, #tpu.memory_space<vmem>>, vector<2048x16xf32>
    tpu.vector_store %arg6[%swap3A, %swap3A_25], %logistic3A_24 {strides = array<i32>} : memref<2048x16xf32, #tpu.memory_space<vmem>>, vector<2048x16xf32>,
    return
  }
  func.func @transform_0(%arg0: i32) -> (i32, i32) {
    %c0_i32 = arith.constant 0 : i32
    %c0_i32_0 = arith.constant 0 : i32
    return %arg0, %c0_i32 : i32, i32
  }
  func.func @transform_1(%arg0: i32) -> (i32, i32) {
    %c0_i32 = arith.constant 0 : i32
    %c0_i32_0 = arith.constant 0 : i32
    %c0_i32_1 = arith.constant 0 : i32
    return %c0_i32, %c0_i32_0 : i32, i32
  }
  func.func @transform_2(%arg0: i32) -> (i32, i32) {
    %c0_i32 = arith.constant 0 : i32
    %c0_i32_0 = arith.constant 0 : i32
    %c0_i32_1 = arith.constant 0 : i32
    return %c0_i32, %c0_i32_0 : i32, i32
  }
  func.func @transform_3(%arg0: i32) -> (i32, i32) {
    %c0_i32 = arith.constant 0 : i32
    %c0_i32_0 = arith.constant 0 : i32
    %c0_i32_1 = arith.constant 0 : i32
    return %c0_i32, %c0_i32_0 : i32, i32
  }
  func.func @transform_4(%arg0: i32) -> (i32, i32) {
    %c0_i32 = arith.constant 0 : i32
    %c0_i32_0 = arith.constant 0 : i32
    %c0_i32_1 = arith.constant 0 : i32
    return %c0_i32, %c0_i32_0 : i32, i32
  }
  func.func @transform_5(%arg0: i32) -> (i32, i32) {
    %c0_i32 = arith.constant 0 : i32
    %c0_i32_0 = arith.constant 0 : i32
    return %arg0, %c0_i32 : i32, i32
  }
}

</mosaic_0001>

<sc_bundles>
// kernel: kernel.5.cloned.1.call-start
scs
__scs_entry_jumppad:
0x0: {  	(pc) =	sbr.rel $0x88, $3  }
0x1: {  	(tag) =	ssettag $0x0;
	lr =	simm.s32 $0x1  }
0x2: {  	[smem:$0x3F9B] =	sst lr;
	_ =	strace $0xD0000000  }
0x3: {  	_ = 	snop  }
0x4: {  	_ = 	snop  }
0x5: {  	_ = 	snop  }
0x6: {  	_ = 	snop  }
0x7: {  	_ = 	snop  }
__scs_overlays_trampoline_lowered:
0x8: {  	[smem:$0x3FAA] =	sst s0  }
0x9: {  	[smem:$0x3FAB] =	sst s1  }
0xa: {  	[smem:$0x3FAC] =	sst s2  }
0xb: {  	[smem:$0x3FAD] =	sst s3  }
0xc: {  	[smem:$0x3FAE] =	sst s4  }
0xd: {  	[smem:$0x3FAF] =	sst s5  }
0xe: {  	[smem:$0x3FB0] =	sst s6  }
0xf: {  	[smem:$0x3FB1] =	sst s7  }
0x10: {  	[smem:$0x3FB2] =	sst s8  }
0x11: {  	[smem:$0x3FB3] =	sst s9;
	s0 =	simm.s32 @!p0 $0x0  }
0x12: {  	s1 =	sld [smem:$0x3F99];
	s0 =	simm.s32 @p0 $0x1  }
0x13: {  	[smem:$0x3FB4] =	sst s0;
	s0 =	simm.s32 @!p1 $0x0  }
0x14: {  	s2 =	sld [smem:$0x3F98];
	s0 =	simm.s32 @p1 $0x1  }
0x15: {  	[smem:$0x3FB5] =	sst s0;
	s0 =	simm.s32 @!p2 $0x0  }
0x16: {  	s3 =	sld [smem:$0x3FDB];
	s0 =	simm.s32 @p2 $0x1  }
0x17: {  	s4 =	simm.s32 $0x1BF5;
	[smem:$0x3FB7] =	sst s0  }
0x18: {  	s0 =	sld [smem:$0x3F9A];
	_ =	swait.ge [sflag:s4], $0x0  }
0x19: {  	s7 =	sld [smem:$0x3F9B]  }
0x1a: {  	s8 =	sadd.s32 $0xFFFFE003, lr  }
0x1b: {  	s9 =	sadd.s32 $0xFFFFFEF7, lr;
	s5 =	simm.s32 $0xFFFFFFFF;
	p2 =	slt.u32 s8, $0xFFFFF086  }
0x1c: {  	p1 =	slt.u32 s9, $0xF7A;
	s5 =	simm.s32 @!p2 $0x0  }
0x1d: {  	s5 =	simm.s32 @p1 $0x1;
	p0 =	seq.s32 s7, s2  }
0x1e: {  	s7 =	smul.u32 @!p0 $0xF7A, s2;
	p2 =	seq.s32 @!p0 s5, $0x0  }
0x1f: {  	s9 =	smul.u32 $0xF7A, s1;
	s8 =	simm.s32 @!p0 $0x1BF5;
	p2 =	por !p2, p0  }
0x20: {  	[sflag:s8] =	ssyncset.s32 @!p0 $0xFFFFF086;
	s6 =	sadd.s32 @!p0 s3, s7;
	s7 =	simm.s32 @!p0 $0x108  }
0x21: {  	s3 =	sadd.s32 s3, s9;
	s6 =	sadd.s32 @!p0 $0x88, s6;
	s7 =	simm.s32 @p2 $0x1082  }
0x22: {  	[simem:s7], [sflag:s8] =	dma.local @!p0 [hbm:s6], $0xF7A  }
0x23: {  	s9 =	sor.u32 $0xD0000000, s2;
	s6 =	simm.s32 $0x108;
	_ =	swait.ge @!p0 [sflag:s8], $0x0  }
0x24: {  	s3 =	sadd.s32 $0x88, s3;
	s6 =	simm.s32 @!p1 $0x1082;
	[sflag:s4] =	ssyncset.s32 $0xFFFFF086  }
0x25: {  	[simem:s6], [sflag:s4] =	dma.local [hbm:s3], $0xF7A  }
0x26: {  	[smem:$0x3F9B] =	sst s1;
	(tag) =	ssettag s2;
	_ =	strace s9  }
0x27: {  	s1 =	sld [smem:$0x3FAB]  }
0x28: {  	s2 =	sld [smem:$0x3FAC]  }
0x29: {  	s4 =	sld [smem:$0x3FAE]  }
0x2a: {  	p0 =	seq.s32 s5, $0x0;
	s5 =	sld [smem:$0x3FAF]  }
0x2b: {  	s6 =	sld [smem:$0x3FB0]  }
0x2c: {  	s7 =	sld [smem:$0x3FB1]  }
0x2d: {  	s3 =	simm.s32 $0x108;
	s8 =	sld [smem:$0x3FB2]  }
0x2e: {  	s3 =	simm.s32 @!p0 $0x1082;
	s9 =	sld [smem:$0x3FB3]  }
0x2f: {  	lr =	sadd.s32 s0, s3;
	s0 =	sld [smem:$0x3FAA]  }
0x30: {  	s3 =	sld [smem:$0x3FAD]  }
0x31: {  	[smem:$0x3FB6] =	sst s10  }
0x32: {  	s10 =	sld [smem:$0x3FB4];
	_ =	sdelay $0x3  }
0x33: {  	p0 =	seq.s32 s10, $0x1;
	s10 =	sld [smem:$0x3FB6];
	_ =	sdelay $0x3  }
0x34: {  	[smem:$0x3FB6] =	sst s10  }
0x35: {  	s10 =	sld [smem:$0x3FB5];
	_ =	sdelay $0x3  }
0x36: {  	p1 =	seq.s32 s10, $0x1;
	s10 =	sld [smem:$0x3FB6];
	_ =	sdelay $0x3  }
0x37: {  	[smem:$0x3FB6] =	sst s10  }
0x38: {  	s10 =	sld [smem:$0x3FB7]  }
0x39: {  	_ = 	snop;
	(pc) =	sbr.ind lr, $3  }
0x3a: {  	_ = 	snop  }
0x3b: {  	_ = 	snop  }
0x3c: {  	p2 =	seq.s32 s10, $0x1;
	s10 =	sld [smem:$0x3FB6]  }
0x3d: {  	_ =	shalt  }
0x3e: {  	_ =	shalt  }
0x3f: {  	_ =	shalt  }
0x40: {  	_ =	shalt  }
0x41: {  	_ =	shalt  }
0x42: {  	_ =	shalt  }
0x43: {  	_ =	shalt  }
0x44: {  	_ =	shalt  }
0x45: {  	_ =	shalt  }
0x46: {  	_ =	shalt  }
0x47: {  	_ =	shalt  }
0x48: {  	_ =	shalt  }
0x49: {  	_ =	shalt  }
0x4a: {  	_ =	shalt  }
0x4b: {  	_ =	shalt  }
0x4c: {  	_ =	shalt  }
0x4d: {  	_ =	shalt  }
0x4e: {  	_ =	shalt  }
0x4f: {  	_ =	shalt  }
0x50: {  	_ =	shalt  }
0x51: {  	_ =	shalt  }
0x52: {  	_ =	shalt  }
0x53: {  	_ =	shalt  }
0x54: {  	_ =	shalt  }
0x55: {  	_ =	shalt  }
0x56: {  	_ =	shalt  }
0x57: {  	_ =	shalt  }
0x58: {  	_ =	shalt  }
0x59: {  	_ =	shalt  }
0x5a: {  	_ =	shalt  }
0x5b: {  	_ =	shalt  }
0x5c: {  	_ =	shalt  }
0x5d: {  	_ =	shalt  }
0x5e: {  	_ =	shalt  }
0x5f: {  	_ =	shalt  }
0x60: {  	_ =	shalt  }
0x61: {  	_ =	shalt  }
0x62: {  	_ =	shalt  }
0x63: {  	_ =	shalt  }
0x64: {  	_ =	shalt  }
0x65: {  	_ =	shalt  }
0x66: {  	_ =	shalt  }
0x67: {  	_ =	shalt  }
0x68: {  	_ =	shalt  }
0x69: {  	_ =	shalt  }
0x6a: {  	_ =	shalt  }
0x6b: {  	_ =	shalt  }
0x6c: {  	_ =	shalt  }
0x6d: {  	_ =	shalt  }
0x6e: {  	_ =	shalt  }
0x6f: {  	_ =	shalt  }
0x70: {  	_ =	shalt  }
0x71: {  	_ =	shalt  }
0x72: {  	_ =	shalt  }
0x73: {  	_ =	shalt  }
0x74: {  	_ =	shalt  }
0x75: {  	_ =	shalt  }
0x76: {  	_ =	shalt  }
0x77: {  	_ =	shalt  }
0x78: {  	_ =	shalt  }
0x79: {  	_ =	shalt  }
0x7a: {  	_ =	shalt  }
0x7b: {  	_ =	shalt  }
0x7c: {  	_ =	shalt  }
0x7d: {  	_ =	shalt  }
0x7e: {  	_ =	shalt  }
0x7f: {  	_ =	shalt  }
0x80: {  	_ =	shalt  }
0x81: {  	_ =	shalt  }
0x82: {  	_ =	shalt  }
0x83: {  	_ =	shalt  }
0x84: {  	_ =	shalt  }
0x85: {  	_ =	shalt  }
0x86: {  	_ =	shalt  }
0x87: {  	_ =	shalt  }
.Lfunc_end0:
.L_simem_size_0:
called_computation_lowered:
.L_overlay_start_0:
0x88: {  	s2 =	sld [smem:$0x3FD9]  }
0x89: {  	s3 =	sld [smem:$0x3FFE];
	_ =	sdelay $0x1  }
0x8a: {  	s1 =	srdreg.scid  }
0x8b: {  	s0 =	sand.u32 $0x1, s1  }
0x8c: {  	s17 =	sshll.u32 s0, $0xA;
	s2 =	sadd.s32 s3, s2  }
0x8d: {  	s2 =	sadd.s32 s2, s17  }
0x8e: {  	[smem:$0x3FC2] =	sst s2  }
0x8f: {  	_ = 	snop  }
0x90: {  	s2 =	sld [smem:$0x3FD0];
	(tm) =	ssettm $0x1  }
0x91: {  	s18 =	sld [smem:$0x3FFB];
	_ =	sdelay $0x3  }
0x92: {  	_ =	strace s18  }
0x93: {  	s3 =	sld [smem:$0x3FFC];
	_ =	sdelay $0x3  }
0x94: {  	_ =	strace s3  }
0x95: {  	s3 =	sld [smem:$0x3FFD];
	_ =	sdelay $0x3  }
0x96: {  	_ =	strace s3  }
0x97: {  	_ =	strace $0x8FFFFFFF  }
0x98: {  	s19 =	sld [smem:$0x3FDB];
	_ =	sdelay $0x1  }
0x99: {  	s4 =	simm.s32 $_scs_section_size  }
0x9a: {  	s5 =	simm.s32 $_size__tile_overlayer_lowered;
	s6 =	simm.s32 $_tile_overlayer_lowered  }
0x9b: {  	s22 =	simm.s32 $0x1BFF;
	s21 =	sshll.u32 s6, $0x1;
	s3 =	sadd.s32 s4, s19  }
0x9c: {  	s7 =	simm.s32 $0x0;
	s20 =	sshll.u32 s5, $0x1;
	s5 =	sadd.s32 s21, s3  }
0x9d: {  	[timem:s7], [sflag:s22] =	dma.local [hbm:s5], s20  }
0x9e: {  	_ =	swait.ge [sflag:s22], s20  }
0x9f: {  	s4 =	ssub.s32 $0x0, s20;
	[sflag:s22] =	ssyncset.done $0x0  }
0xa0: {  	[sflag:s22] =	ssyncadd.s32 s4;
	_ =	sdelay $0x1  }
0xa1: {  	s23 =	simm.s32 $0x1B8B  }
0xa2: {  	_ =	swait.ge [sflag:s23], $0x1  }
0xa3: {  	[sflag:s23] =	ssyncset.done $0x0  }
0xa4: {  	s25 =	simm.s32 $0x1B8E;
	s24 =	sld [smem:$0x3FFE];
	[sflag:s23] =	ssyncadd.s32 $0xFFFFFFFF  }
0xa5: {  	s26 =	simm.s32 $execute0_lowered;
	[smem:$0x3FD2] =	sst s25  }
0xa6: {  	s5 =	sshll.u32 s26, $0x1;
	_ =	strace $0x80000046;
	[dreg:$0x1] =	wrdreg $0xFFFFFFFF  }
0xa7: {  	s28 =	simm.s32 $_size_execute0_lowered;
	s3 =	sadd.s32 s3, s5;
	[dreg:$0x0] =	wrdreg $0x0  }
0xa8: {  	s5 =	sshll.u32 s28, $0x1;
	[dreg:$0x2] =	wrdreg s3  }
0xa9: {  	[dreg:$0x3] =	wrdreg s5  }
0xaa: {  	[dreg:$0x4] =	wrdreg $0xC0  }
0xab: {  	_ =	task [dreg:s7], $0x5FFFF  }
0xac: {  	[dreg:$0x1] =	wrdreg $0xFFFFFFFF  }
0xad: {  	[dreg:$0x0] =	wrdreg $0x60  }
0xae: {  	[dreg:$0x2] =	wrdreg s24  }
0xaf: {  	[dreg:$0x3] =	wrdreg s2  }
0xb0: {  	[dreg:$0x4] =	wrdreg $0x9  }
0xb1: {  	_ =	task.clear_ibuf [dreg:s7], $0x5FFFF;
	_ =	strace $0x90000046  }
0xb2: {  	s29 =	simm.s32 $0x9;
	_ =	strace $0x80000048  }
0xb3: {  	_ =	swait.ge [sflag:s29], $0x1  }
0xb4: {  	[sflag:s29] =	ssyncadd.s32 $0xFFFFFFFF  }
0xb5: {  	_ =	strace $0x90000048  }
0xb6: {  	_ =	sfence  }
0xb7: {  	s30 =	sld [smem:$0x0];
	_ =	sdelay $0x2  }
0xb8: {  	s31 =	sshll.u32 s1, $0xD;
	s1 =	sshrl.u32 s1, $0x2  }
0xb9: {  	s3 =	sand.u32 $0x4000, s31;
	s1 =	sadd.s32 s1, s30  }
0xba: {  	s0 =	sor.u32 s3, s0;
	s1 =	sshll.u32 s1, $0x11  }
0xbb: {  	s0 =	sor.u32 s1, s0  }
0xbc: {  	s0 =	sadd.s32 $0x8F2B, s0  }
0xbd: {  	[sflag:s0] =	ssyncadd.remote.s32 $0x1  }
0xbe: {  	_ =	sfence.sel $0xFFFF  }
0xbf: {  	[dreg:$0x0] =	wrdreg $0xFFFFFFFF;
	(pc) =	sbr.abs _section_cstart, $3  }
0xc0: {  	[dreg:$0x1] =	wrdreg $0xFFFFFFFF  }
0xc1: {  	_ =	task.clear_ibuf [dreg:s7], $0x2FFFF;
	_ =	strace $0x9FFFFFFF  }
0xc2: {  	(tm) =	ssettm $0x7FFFFFFF  }
0xc3: {  	_ =	shalt  }
tec
execute0_lowered:
.L_overlay_start_1:
0x0: {  	(tag) =	ssettag $0x1  }
0x1: {  	s1 =	srdreg.scid  }
0x2: {  	s8 =	rddreg [dreg:$0x0];
	s0 =	stileid.u32  }
0x3: {  	s3 =	rddreg [dreg:$0x1];
	s2 =	simm.s32 $0x0;
	s6 =	sand.u32 $0x1, s1  }
0x4: {  	s4 =	sshll.u32 s0, $0xA;
	s1 =	rddreg [dreg:$0x2];
	s5 =	sshll.u32 s6, $0x9  }
0x5: {  	s7 =	simm.s32 $0x1;
	[smem:$0x7FF] =	sst s2;
	s9 =	sor.u32 s5, s4  }
0x6: {  	_ =	strace $0x80000047;
	s10 =	ssub.s32 $0x2, s6;
	s4 =	sshrl.u32 s9, $0x3  }
0x7: {  	s6 =	simm.s32 $0x200;
	s4 =	sadd.s32 s3, s4;
	s3 =	simm.s32 $0x2  }
0x8: {  	[tilespmem:s2], [sflag:$0x2] =	stream.linear.gather [hbm4b:s4+s2], $0x200, $0x38;
	[tilespmem:$0x4200] =	vst v63  }
0x9: {  	s5 =	sadd.s32 $0xC00, s8;
	s11 =	sshrl.u32 s10, $0x1;
	_ =	swait.ge [sflag:s3], $0x200  }
0xa: {  	s9 =	sshll.u32 s9, $0x2;
	s31 =	ssub.s32 s10, s11;
	[sflag:s3] =	ssyncset.done $0x0  }
0xb: {  	s8 =	sadd.s32 s9, s8;
	s9 =	smax.u32 s31, $0x1;
	[sflag:s3] =	ssyncadd.s32 $0xFFFFFE00  }
0xc: {  	[tilespmem:s6], [sflag:$0x1] =	stream.indirect.gather [hbm4b:s5+s6], $0x20, s2, s6, $0xb8;
	[tilespmem:$0x4200] =	vst v63  }
0xd: {  	p0 =	sne.s32 s9, $0x1;
	_ =	swait.ge [sflag:s7], $0x4000  }
.Ltmp0:
0xe: {  	[sflag:s7] =	ssyncset.done $0x0;
	(pc) =	sbr.rel @!p0 .LBB2_2-.Ltmp0, $4  }
0xf: {  	s8 =	sadd.s32 $0x3D1600, s8;
	[sflag:s7] =	ssyncadd.s32 $0xFFFFC000  }
0x10: {  	[hbm4b:s8+s2] =	stream.linear.scatter [tilespmem:s6], [sflag:$0x2], $0x4000, $0x38;
	[tilespmem:$0x4200] =	vst v63  }
0x11: {  	_ =	swait.ge [sflag:s3], $0x4000  }
0x12: {  	s9 =	sadd.s32 $0xFFFFFFFF, s9;
	[sflag:s3] =	ssyncset.done $0x0  }
.LBB2_1:
0x13: {  	p0 =	sne.s32 s9, $0x1;
	s9 =	sadd.s32 $0xFFFFFFFF, s9;
	[sflag:s3] =	ssyncadd.s32 $0xFFFFC000  }
0x14: {  	[tilespmem:s2], [sflag:$0x2] =	stream.linear.gather [hbm4b:s4+s2], $0x200, $0x38;
	[tilespmem:$0x4200] =	vst v63  }
0x15: {  	_ =	swait.ge [sflag:s3], $0x200  }
0x16: {  	[sflag:s3] =	ssyncset.done $0x0  }
0x17: {  	[sflag:s3] =	ssyncadd.s32 $0xFFFFFE00  }
0x18: {  	[tilespmem:s6], [sflag:$0x1] =	stream.indirect.gather [hbm4b:s5+s6], $0x20, s2, s6, $0xb8;
	[tilespmem:$0x4200] =	vst v63  }
0x19: {  	_ =	swait.ge [sflag:s7], $0x4000  }
.Ltmp1:
0x1a: {  	[sflag:s7] =	ssyncset.done $0x0;
	(pc) =	sbr.rel @p0 .LBB2_1-.Ltmp1, $4  }
0x1b: {  	[sflag:s7] =	ssyncadd.s32 $0xFFFFC000  }
0x1c: {  	[hbm4b:s8+s2] =	stream.linear.scatter [tilespmem:s6], [sflag:$0x2], $0x4000, $0x38;
	[tilespmem:$0x4200] =	vst v63  }
0x1d: {  	_ =	swait.ge [sflag:s3], $0x4000  }
0x1e: {  	[sflag:s3] =	ssyncset.done $0x0  }
.LBB2_2:
0x1f: {  	[sflag:s3] =	ssyncadd.s32 $0xFFFFC000  }
0x20: {  	_ =	sfence.sel $0x180000  }
0x21: {  	[bflag:$0x0] =	sbarrier.arrive $0xFFFF  }
0x22: {  	p0 =	sne.s32 s0, $0x0;
	_ =	strace $0x90000047  }
0x23: {  	s0 =	sadd.s32 @!p0 $0x100000, s1;
	[bflag:$0x2] =	sbarrier.arrive $0xFFFF  }
0x24: {  	[sflag:s0] =	ssyncadd.tile.s32 @!p0 $0x1;
	_ =	shalt  }
.Lfunc_end2:
_tile_overlayer_lowered:
.L_overlay_start_2:
0x25: {  	(tag) =	ssettag $0x2  }
0x26: {  	s0 =	rddreg [dreg:$0x0];
	s2 =	stileid.u32  }
0x27: {  	s1 =	rddreg [dreg:$0x1];
	p0 =	sne.s32 s2, $0x0  }
0x28: {  	s3 =	rddreg [dreg:$0x2];
	[bflag:$0x3] =	sbarrier.arrive $0xFFFF;
	s2 =	simm.s32 @!p0 $0x1C02  }
0x29: {  	[timem:s3], [sflag:s2] =	dma.local @!p0 [hbm:s0], s1  }
0x2a: {  	s0 =	simm.s32 @!p0 $0x2  }
0x2b: {  	_ =	swait.ge @!p0 [sflag:s0], s1  }
0x2c: {  	s1 =	ssub.s32 @!p0 $0x0, s1;
	[sflag:s0] =	ssyncset.done @!p0 $0x0  }
0x2d: {  	[sflag:s0] =	ssyncadd.s32 @!p0 s1  }
0x2e: {  	[bflag:$0x3] =	sbarrier.arrive $0xFFFF  }
0x2f: {  	_ =	shalt  }

</sc_bundles>
